<compile_context>
chip_gen: v7x
topology: tpu7x:2x2x1
jax: 0.10.2.dev20260603
libtpu: 0.0.44.dev20260713+nightly
codegen_flags: <defaults>
</compile_context>

<pallas_src>
import functools

import jax
import jax.numpy as jnp
from jax import lax
from jax.experimental import pallas as pl
from jax.experimental.pallas import tpu as pltpu
from jax.experimental.pallas import tpu_sc as plsc

NWORDS = 1000000
NTAGS = 64
NTOK = 16384

NC = 2
NS = 16
LANES = 16
B_PER_SC = NTOK // NC
B_PER_W = B_PER_SC // NS
SCHUNK = 128
NSCHUNK = B_PER_W // SCHUNK

W_PAD = 1 << 20
W_PER_TILE = W_PAD // NS
ZBUF = 8192

_mesh = plsc.VectorSubcoreMesh(
    core_axis_name="c", subcore_axis_name="s", num_cores=NC, num_subcores=NS
)


def _hist_body(x_hbm, z_hbm, o1_hbm, out_hbm, idx_v, ones_v, zbuf_v, acc_sh):
    cid = lax.axis_index("c")
    sid = lax.axis_index("s")

    pltpu.sync_copy(z_hbm, zbuf_v)
    for k in range(W_PER_TILE // ZBUF):
        pltpu.sync_copy(
            zbuf_v, acc_sh.at[pl.ds(sid * W_PER_TILE + k * ZBUF, ZBUF)]
        )

    pltpu.sync_copy(o1_hbm, ones_v)

    base = cid * B_PER_SC + sid * B_PER_W
    for j in range(NSCHUNK):
        pltpu.sync_copy(x_hbm.at[pl.ds(base + j * SCHUNK, SCHUNK)], idx_v.at[j])
    plsc.subcore_barrier()
    for j in range(NSCHUNK):
        pltpu.sync_copy(ones_v, acc_sh.at[idx_v.at[j]], add=True)
    plsc.subcore_barrier()
    pltpu.sync_copy(
        acc_sh.at[pl.ds(sid * W_PER_TILE, W_PER_TILE)],
        out_hbm.at[pl.ds(cid * W_PAD + sid * W_PER_TILE, W_PER_TILE)],
    )


_hist = functools.partial(
    pl.kernel,
    mesh=_mesh,
    out_type=jax.ShapeDtypeStruct((NC * W_PAD,), jnp.float32),
    scratch_types=[
        pltpu.VMEM((NSCHUNK, SCHUNK), jnp.int32),
        pltpu.VMEM((SCHUNK,), jnp.float32),
        pltpu.VMEM((ZBUF,), jnp.float32),
        pltpu.VMEM_SHARED((W_PAD,), jnp.float32),
    ],
)(_hist_body)

BW = 32768
_GRID = pl.cdiv(NWORDS, BW)



def _matvec_body(t_ref, c0_ref, c1_ref, b_ref, o_ref, acc_ref):
    i = pl.program_id(0)

    @pl.when(i == 0)
    def _init():
        acc_ref[...] = jnp.zeros_like(acc_ref)

    c = (c0_ref[...] + c1_ref[...]).astype(jnp.float32)
    acc_ref[...] += t_ref[...] * c

    @pl.when(i == _GRID - 1)
    def _fin():
        o_ref[...] = jnp.sum(acc_ref[...], axis=1)[None, :] + b_ref[...]


def kernel(x, table, bias):
    counts = _hist(
        x.astype(jnp.int32),
        jnp.zeros((ZBUF,), jnp.float32),
        jnp.ones((SCHUNK,), jnp.float32),
    )
    counts2 = counts.reshape(1, NC * W_PAD)
    table_t = table.T
    return pl.pallas_call(
        _matvec_body,
        grid=(_GRID,),
        in_specs=[
            pl.BlockSpec((NTAGS, BW), lambda i: (0, i)),
            pl.BlockSpec((1, BW), lambda i: (0, i)),
            pl.BlockSpec((1, BW), lambda i: (0, W_PAD // BW + i)),
            pl.BlockSpec((1, NTAGS), lambda i: (0, 0)),
        ],
        out_specs=pl.BlockSpec((1, NTAGS), lambda i: (0, 0)),
        out_shape=jax.ShapeDtypeStruct((1, NTAGS), jnp.float32),
        scratch_shapes=[pltpu.VMEM((NTAGS, BW), jnp.float32)],
        compiler_params=pltpu.CompilerParams(
            dimension_semantics=("arbitrary",)
        ),
    )(table_t, counts2, counts2, bias.reshape(1, NTAGS))

# --- scband reference (transcript-rebuilt; emitter-appended) ---
"""Pipeline reference for scband-bo-w-20358144983442 (READ-ONLY COPY).

The authoritative reference and input builder live on the scoring server;
editing this copy changes nothing except your own understanding.
"""

import jax, jax.numpy as jnp
import numpy as np

NWORDS = 1000000
NTAGS = 64
NTOK = 16384

def setup_inputs(seed: int = 0) -> dict:
    key = jax.random.key(seed)
    k1, k2 = jax.random.split(key, 2)
    x = jax.random.randint(k1, (NTOK,), 0, NWORDS, dtype=jnp.int64 if jax.config.jax_enable_x64 else jnp.int32)
    # xavier uniform init for embedding table [NWORDS, NTAGS]
    limit = float(np.sqrt(6.0 / (NWORDS + NTAGS)))
    table = jax.random.uniform(k2, (NWORDS, NTAGS), dtype=jnp.float32, minval=-limit, maxval=limit)
    bias = jnp.zeros((NTAGS,), dtype=jnp.float32)
    return {"x": x, "table": table, "bias": bias}

def reference(x, table, bias):
    # emb = self.embedding(x)
    emb = jnp.take(table, x, axis=0)  # [NTOK, NTAGS]
    # out = torch.sum(emb, dim=0) + self.bias
    out = jnp.sum(emb, axis=0) + bias  # [NTAGS]
    # out.view(1, -1)
    return out.reshape(1, -1)

if __name__ == "__main__":
    import jax
    _d = setup_inputs()
    print(jax.jit(kernel)(*tuple(_d.values())))

</pallas_src>

<mosaic_0001>
#map = affine_map<(d0, d1) -> (0)>
module attributes {stable_mosaic.version = 14 : i64} {
  func.func @_hist_body(%arg0: i32, %arg1: i32, %arg2: memref<16384xi32, #tpu.memory_space<hbm>>, %arg3: memref<8192xf32, #tpu.memory_space<hbm>>, %arg4: memref<128xf32, #tpu.memory_space<hbm>>, %arg5: memref<2097152xf32, #tpu.memory_space<hbm>>, %arg6: memref<4x128xi32, #tpu.memory_space<vmem>>, %arg7: memref<128xf32, #tpu.memory_space<vmem>>, %arg8: memref<8192xf32, #tpu.memory_space<vmem>>, %arg9: memref<1048576xf32, #tpu.memory_space<vmem_shared>>) attributes {dimension_semantics = [#tpu.dimension_semantics<core_parallel>, #tpu.dimension_semantics<subcore_parallel>], iteration_bounds = array<i64: 2, 16>, scalar_prefetch = 0 : i64, scratch_operands = 4 : i64, tpu.core_type = #tpu.core_type<sc_vector_subcore>, window_params = [{transform_indices = #map}, {transform_indices = #map}, {transform_indices = #map}, {transform_indices = #map}]} {
    "tpu.region"() ({
      %run_scoped3A_58 = tpu.sem_alloc : memref<!tpu.dma_semaphore, #tpu.memory_space<semaphore_mem>>
      tpu.enqueue_dma source(%arg3 : memref<8192xf32, #tpu.memory_space<hbm>>) target(%arg8 : memref<8192xf32, #tpu.memory_space<vmem>>) target_semaphore(%run_scoped3A_58 : memref<!tpu.dma_semaphore, #tpu.memory_space<semaphore_mem>>)
      tpu.wait_dma2 semaphore(%run_scoped3A_58 : memref<!tpu.dma_semaphore, #tpu.memory_space<semaphore_mem>>) src(%arg3 : memref<8192xf32, #tpu.memory_space<hbm>>) dst(%arg8 : memref<8192xf32, #tpu.memory_space<vmem>>)
      tpu.yield
    }) : () -> ()
    %mul3A = arith.constant 65536 : i32
    %mul3A_0 = arith.muli %arg1, %mul3A : i32
    %add3A = arith.constant 0 : i32
    %add3A_1 = arith.addi %mul3A_0, %add3A : i32
    "tpu.region"() ({
      %run_scoped3A_58 = tpu.sem_alloc : memref<!tpu.dma_semaphore, #tpu.memory_space<semaphore_mem>>
      %dma_start3A = tpu.memref_slice %arg9[%add3A_1] : memref<1048576xf32, #tpu.memory_space<vmem_shared>> -> memref<8192xf32, #tpu.memory_space<vmem_shared>>
      %dma_start3A_59 = tpu.memref_slice %arg9[%add3A_1] : memref<1048576xf32, #tpu.memory_space<vmem_shared>> -> memref<8192xf32, #tpu.memory_space<vmem_shared>>
      tpu.enqueue_dma source(%arg8 : memref<8192xf32, #tpu.memory_space<vmem>>) target(%dma_start3A_59 : memref<8192xf32, #tpu.memory_space<vmem_shared>>) target_semaphore(%run_scoped3A_58 : memref<!tpu.dma_semaphore, #tpu.memory_space<semaphore_mem>>)
      %dma_wait3A = tpu.memref_slice %arg9[%add3A_1] : memref<1048576xf32, #tpu.memory_space<vmem_shared>> -> memref<8192xf32, #tpu.memory_space<vmem_shared>>
      %dma_wait3A_60 = tpu.memref_slice %arg9[%add3A_1] : memref<1048576xf32, #tpu.memory_space<vmem_shared>> -> memref<8192xf32, #tpu.memory_space<vmem_shared>>
      tpu.wait_dma2 semaphore(%run_scoped3A_58 : memref<!tpu.dma_semaphore, #tpu.memory_space<semaphore_mem>>) src(%arg8 : memref<8192xf32, #tpu.memory_space<vmem>>) dst(%dma_wait3A_60 : memref<8192xf32, #tpu.memory_space<vmem_shared>>)
      tpu.yield
    }) : () -> ()
    %mul3A_2 = arith.constant 65536 : i32
    %mul3A_3 = arith.muli %arg1, %mul3A_2 : i32
    %add3A_4 = arith.constant 8192 : i32
    %add3A_5 = arith.addi %mul3A_3, %add3A_4 : i32
    "tpu.region"() ({
      %run_scoped3A_58 = tpu.sem_alloc : memref<!tpu.dma_semaphore, #tpu.memory_space<semaphore_mem>>
      %dma_start3A = tpu.memref_slice %arg9[%add3A_5] : memref<1048576xf32, #tpu.memory_space<vmem_shared>> -> memref<8192xf32, #tpu.memory_space<vmem_shared>>
      %dma_start3A_59 = tpu.memref_slice %arg9[%add3A_5] : memref<1048576xf32, #tpu.memory_space<vmem_shared>> -> memref<8192xf32, #tpu.memory_space<vmem_shared>>
      tpu.enqueue_dma source(%arg8 : memref<8192xf32, #tpu.memory_space<vmem>>) target(%dma_start3A_59 : memref<8192xf32, #tpu.memory_space<vmem_shared>>) target_semaphore(%run_scoped3A_58 : memref<!tpu.dma_semaphore, #tpu.memory_space<semaphore_mem>>)
      %dma_wait3A = tpu.memref_slice %arg9[%add3A_5] : memref<1048576xf32, #tpu.memory_space<vmem_shared>> -> memref<8192xf32, #tpu.memory_space<vmem_shared>>
      %dma_wait3A_60 = tpu.memref_slice %arg9[%add3A_5] : memref<1048576xf32, #tpu.memory_space<vmem_shared>> -> memref<8192xf32, #tpu.memory_space<vmem_shared>>
      tpu.wait_dma2 semaphore(%run_scoped3A_58 : memref<!tpu.dma_semaphore, #tpu.memory_space<semaphore_mem>>) src(%arg8 : memref<8192xf32, #tpu.memory_space<vmem>>) dst(%dma_wait3A_60 : memref<8192xf32, #tpu.memory_space<vmem_shared>>)
      tpu.yield
    }) : () -> ()
    %mul3A_6 = arith.constant 65536 : i32
    %mul3A_7 = arith.muli %arg1, %mul3A_6 : i32
    %add3A_8 = arith.constant 16384 : i32
    %add3A_9 = arith.addi %mul3A_7, %add3A_8 : i32
    "tpu.region"() ({
      %run_scoped3A_58 = tpu.sem_alloc : memref<!tpu.dma_semaphore, #tpu.memory_space<semaphore_mem>>
      %dma_start3A = tpu.memref_slice %arg9[%add3A_9] : memref<1048576xf32, #tpu.memory_space<vmem_shared>> -> memref<8192xf32, #tpu.memory_space<vmem_shared>>
      %dma_start3A_59 = tpu.memref_slice %arg9[%add3A_9] : memref<1048576xf32, #tpu.memory_space<vmem_shared>> -> memref<8192xf32, #tpu.memory_space<vmem_shared>>
      tpu.enqueue_dma source(%arg8 : memref<8192xf32, #tpu.memory_space<vmem>>) target(%dma_start3A_59 : memref<8192xf32, #tpu.memory_space<vmem_shared>>) target_semaphore(%run_scoped3A_58 : memref<!tpu.dma_semaphore, #tpu.memory_space<semaphore_mem>>)
      %dma_wait3A = tpu.memref_slice %arg9[%add3A_9] : memref<1048576xf32, #tpu.memory_space<vmem_shared>> -> memref<8192xf32, #tpu.memory_space<vmem_shared>>
      %dma_wait3A_60 = tpu.memref_slice %arg9[%add3A_9] : memref<1048576xf32, #tpu.memory_space<vmem_shared>> -> memref<8192xf32, #tpu.memory_space<vmem_shared>>
      tpu.wait_dma2 semaphore(%run_scoped3A_58 : memref<!tpu.dma_semaphore, #tpu.memory_space<semaphore_mem>>) src(%arg8 : memref<8192xf32, #tpu.memory_space<vmem>>) dst(%dma_wait3A_60 : memref<8192xf32, #tpu.memory_space<vmem_shared>>)
      tpu.yield
    }) : () -> ()
    %mul3A_10 = arith.constant 65536 : i32
    %mul3A_11 = arith.muli %arg1, %mul3A_10 : i32
    %add3A_12 = arith.constant 24576 : i32
    %add3A_13 = arith.addi %mul3A_11, %add3A_12 : i32
    "tpu.region"() ({
      %run_scoped3A_58 = tpu.sem_alloc : memref<!tpu.dma_semaphore, #tpu.memory_space<semaphore_mem>>
      %dma_start3A = tpu.memref_slice %arg9[%add3A_13] : memref<1048576xf32, #tpu.memory_space<vmem_shared>> -> memref<8192xf32, #tpu.memory_space<vmem_shared>>
      %dma_start3A_59 = tpu.memref_slice %arg9[%add3A_13] : memref<1048576xf32, #tpu.memory_space<vmem_shared>> -> memref<8192xf32, #tpu.memory_space<vmem_shared>>
      tpu.enqueue_dma source(%arg8 : memref<8192xf32, #tpu.memory_space<vmem>>) target(%dma_start3A_59 : memref<8192xf32, #tpu.memory_space<vmem_shared>>) target_semaphore(%run_scoped3A_58 : memref<!tpu.dma_semaphore, #tpu.memory_space<semaphore_mem>>)
      %dma_wait3A = tpu.memref_slice %arg9[%add3A_13] : memref<1048576xf32, #tpu.memory_space<vmem_shared>> -> memref<8192xf32, #tpu.memory_space<vmem_shared>>
      %dma_wait3A_60 = tpu.memref_slice %arg9[%add3A_13] : memref<1048576xf32, #tpu.memory_space<vmem_shared>> -> memref<8192xf32, #tpu.memory_space<vmem_shared>>
      tpu.wait_dma2 semaphore(%run_scoped3A_58 : memref<!tpu.dma_semaphore, #tpu.memory_space<semaphore_mem>>) src(%arg8 : memref<8192xf32, #tpu.memory_space<vmem>>) dst(%dma_wait3A_60 : memref<8192xf32, #tpu.memory_space<vmem_shared>>)
      tpu.yield
    }) : () -> ()
    %mul3A_14 = arith.constant 65536 : i32
    %mul3A_15 = arith.muli %arg1, %mul3A_14 : i32
    %add3A_16 = arith.constant 32768 : i32
    %add3A_17 = arith.addi %mul3A_15, %add3A_16 : i32
    "tpu.region"() ({
      %run_scoped3A_58 = tpu.sem_alloc : memref<!tpu.dma_semaphore, #tpu.memory_space<semaphore_mem>>
      %dma_start3A = tpu.memref_slice %arg9[%add3A_17] : memref<1048576xf32, #tpu.memory_space<vmem_shared>> -> memref<8192xf32, #tpu.memory_space<vmem_shared>>
      %dma_start3A_59 = tpu.memref_slice %arg9[%add3A_17] : memref<1048576xf32, #tpu.memory_space<vmem_shared>> -> memref<8192xf32, #tpu.memory_space<vmem_shared>>
      tpu.enqueue_dma source(%arg8 : memref<8192xf32, #tpu.memory_space<vmem>>) target(%dma_start3A_59 : memref<8192xf32, #tpu.memory_space<vmem_shared>>) target_semaphore(%run_scoped3A_58 : memref<!tpu.dma_semaphore, #tpu.memory_space<semaphore_mem>>)
      %dma_wait3A = tpu.memref_slice %arg9[%add3A_17] : memref<1048576xf32, #tpu.memory_space<vmem_shared>> -> memref<8192xf32, #tpu.memory_space<vmem_shared>>
      %dma_wait3A_60 = tpu.memref_slice %arg9[%add3A_17] : memref<1048576xf32, #tpu.memory_space<vmem_shared>> -> memref<8192xf32, #tpu.memory_space<vmem_shared>>
      tpu.wait_dma2 semaphore(%run_scoped3A_58 : memref<!tpu.dma_semaphore, #tpu.memory_space<semaphore_mem>>) src(%arg8 : memref<8192xf32, #tpu.memory_space<vmem>>) dst(%dma_wait3A_60 : memref<8192xf32, #tpu.memory_space<vmem_shared>>)
      tpu.yield
    }) : () -> ()
    %mul3A_18 = arith.constant 65536 : i32
    %mul3A_19 = arith.muli %arg1, %mul3A_18 : i32
    %add3A_20 = arith.constant 40960 : i32
    %add3A_21 = arith.addi %mul3A_19, %add3A_20 : i32
    "tpu.region"() ({
      %run_scoped3A_58 = tpu.sem_alloc : memref<!tpu.dma_semaphore, #tpu.memory_space<semaphore_mem>>
      %dma_start3A = tpu.memref_slice %arg9[%add3A_21] : memref<1048576xf32, #tpu.memory_space<vmem_shared>> -> memref<8192xf32, #tpu.memory_space<vmem_shared>>
      %dma_start3A_59 = tpu.memref_slice %arg9[%add3A_21] : memref<1048576xf32, #tpu.memory_space<vmem_shared>> -> memref<8192xf32, #tpu.memory_space<vmem_shared>>
      tpu.enqueue_dma source(%arg8 : memref<8192xf32, #tpu.memory_space<vmem>>) target(%dma_start3A_59 : memref<8192xf32, #tpu.memory_space<vmem_shared>>) target_semaphore(%run_scoped3A_58 : memref<!tpu.dma_semaphore, #tpu.memory_space<semaphore_mem>>)
      %dma_wait3A = tpu.memref_slice %arg9[%add3A_21] : memref<1048576xf32, #tpu.memory_space<vmem_shared>> -> memref<8192xf32, #tpu.memory_space<vmem_shared>>
      %dma_wait3A_60 = tpu.memref_slice %arg9[%add3A_21] : memref<1048576xf32, #tpu.memory_space<vmem_shared>> -> memref<8192xf32, #tpu.memory_space<vmem_shared>>
      tpu.wait_dma2 semaphore(%run_scoped3A_58 : memref<!tpu.dma_semaphore, #tpu.memory_space<semaphore_mem>>) src(%arg8 : memref<8192xf32, #tpu.memory_space<vmem>>) dst(%dma_wait3A_60 : memref<8192xf32, #tpu.memory_space<vmem_shared>>)
      tpu.yield
    }) : () -> ()
    %mul3A_22 = arith.constant 65536 : i32
    %mul3A_23 = arith.muli %arg1, %mul3A_22 : i32
    %add3A_24 = arith.constant 49152 : i32
    %add3A_25 = arith.addi %mul3A_23, %add3A_24 : i32
    "tpu.region"() ({
      %run_scoped3A_58 = tpu.sem_alloc : memref<!tpu.dma_semaphore, #tpu.memory_space<semaphore_mem>>
      %dma_start3A = tpu.memref_slice %arg9[%add3A_25] : memref<1048576xf32, #tpu.memory_space<vmem_shared>> -> memref<8192xf32, #tpu.memory_space<vmem_shared>>
      %dma_start3A_59 = tpu.memref_slice %arg9[%add3A_25] : memref<1048576xf32, #tpu.memory_space<vmem_shared>> -> memref<8192xf32, #tpu.memory_space<vmem_shared>>
      tpu.enqueue_dma source(%arg8 : memref<8192xf32, #tpu.memory_space<vmem>>) target(%dma_start3A_59 : memref<8192xf32, #tpu.memory_space<vmem_shared>>) target_semaphore(%run_scoped3A_58 : memref<!tpu.dma_semaphore, #tpu.memory_space<semaphore_mem>>)
      %dma_wait3A = tpu.memref_slice %arg9[%add3A_25] : memref<1048576xf32, #tpu.memory_space<vmem_shared>> -> memref<8192xf32, #tpu.memory_space<vmem_shared>>
      %dma_wait3A_60 = tpu.memref_slice %arg9[%add3A_25] : memref<1048576xf32, #tpu.memory_space<vmem_shared>> -> memref<8192xf32, #tpu.memory_space<vmem_shared>>
      tpu.wait_dma2 semaphore(%run_scoped3A_58 : memref<!tpu.dma_semaphore, #tpu.memory_space<semaphore_mem>>) src(%arg8 : memref<8192xf32, #tpu.memory_space<vmem>>) dst(%dma_wait3A_60 : memref<8192xf32, #tpu.memory_space<vmem_shared>>)
      tpu.yield
    }) : () -> ()
    %mul3A_26 = arith.constant 65536 : i32
    %mul3A_27 = arith.muli %arg1, %mul3A_26 : i32
    %add3A_28 = arith.constant 57344 : i32
    %add3A_29 = arith.addi %mul3A_27, %add3A_28 : i32
    "tpu.region"() ({
      %run_scoped3A_58 = tpu.sem_alloc : memref<!tpu.dma_semaphore, #tpu.memory_space<semaphore_mem>>
      %dma_start3A = tpu.memref_slice %arg9[%add3A_29] : memref<1048576xf32, #tpu.memory_space<vmem_shared>> -> memref<8192xf32, #tpu.memory_space<vmem_shared>>
      %dma_start3A_59 = tpu.memref_slice %arg9[%add3A_29] : memref<1048576xf32, #tpu.memory_space<vmem_shared>> -> memref<8192xf32, #tpu.memory_space<vmem_shared>>
      tpu.enqueue_dma source(%arg8 : memref<8192xf32, #tpu.memory_space<vmem>>) target(%dma_start3A_59 : memref<8192xf32, #tpu.memory_space<vmem_shared>>) target_semaphore(%run_scoped3A_58 : memref<!tpu.dma_semaphore, #tpu.memory_space<semaphore_mem>>)
      %dma_wait3A = tpu.memref_slice %arg9[%add3A_29] : memref<1048576xf32, #tpu.memory_space<vmem_shared>> -> memref<8192xf32, #tpu.memory_space<vmem_shared>>
      %dma_wait3A_60 = tpu.memref_slice %arg9[%add3A_29] : memref<1048576xf32, #tpu.memory_space<vmem_shared>> -> memref<8192xf32, #tpu.memory_space<vmem_shared>>
      tpu.wait_dma2 semaphore(%run_scoped3A_58 : memref<!tpu.dma_semaphore, #tpu.memory_space<semaphore_mem>>) src(%arg8 : memref<8192xf32, #tpu.memory_space<vmem>>) dst(%dma_wait3A_60 : memref<8192xf32, #tpu.memory_space<vmem_shared>>)
      tpu.yield
    }) : () -> ()
    "tpu.region"() ({
      %run_scoped3A_58 = tpu.sem_alloc : memref<!tpu.dma_semaphore, #tpu.memory_space<semaphore_mem>>
      tpu.enqueue_dma source(%arg4 : memref<128xf32, #tpu.memory_space<hbm>>) target(%arg7 : memref<128xf32, #tpu.memory_space<vmem>>) target_semaphore(%run_scoped3A_58 : memref<!tpu.dma_semaphore, #tpu.memory_space<semaphore_mem>>)
      tpu.wait_dma2 semaphore(%run_scoped3A_58 : memref<!tpu.dma_semaphore, #tpu.memory_space<semaphore_mem>>) src(%arg4 : memref<128xf32, #tpu.memory_space<hbm>>) dst(%arg7 : memref<128xf32, #tpu.memory_space<vmem>>)
      tpu.yield
    }) : () -> ()
    %mul3A_30 = arith.constant 8192 : i32
    %mul3A_31 = arith.muli %arg0, %mul3A_30 : i32
    %mul3A_32 = arith.constant 512 : i32
    %mul3A_33 = arith.muli %arg1, %mul3A_32 : i32
    %add3A_34 = arith.addi %mul3A_31, %mul3A_33 : i32
    %add3A_35 = arith.constant 0 : i32
    %add3A_36 = arith.addi %add3A_34, %add3A_35 : i32
    %run_scoped3A = arith.constant 0 : i32
    "tpu.region"() ({
      %run_scoped3A_58 = tpu.sem_alloc : memref<!tpu.dma_semaphore, #tpu.memory_space<semaphore_mem>>
      %dma_start3A = arith.constant 0 : i32
      %dma_start3A_59 = tpu.memref_slice %arg6[%run_scoped3A, %dma_start3A] : memref<4x128xi32, #tpu.memory_space<vmem>> -> memref<1x128xi32, #tpu.memory_space<vmem>>
      %dma_start3A_60 = tpu.memref_squeeze %dma_start3A_59 : memref<1x128xi32, #tpu.memory_space<vmem>> -> memref<128xi32, #tpu.memory_space<vmem>>
      %dma_start3A_61 = tpu.memref_slice %arg2[%add3A_36] : memref<16384xi32, #tpu.memory_space<hbm>> -> memref<128xi32, #tpu.memory_space<hbm>>
      %dma_start3A_62 = arith.constant 0 : i32
      %dma_start3A_63 = tpu.memref_slice %arg6[%run_scoped3A, %dma_start3A_62] : memref<4x128xi32, #tpu.memory_space<vmem>> -> memref<1x128xi32, #tpu.memory_space<vmem>>
      %dma_start3A_64 = tpu.memref_squeeze %dma_start3A_63 : memref<1x128xi32, #tpu.memory_space<vmem>> -> memref<128xi32, #tpu.memory_space<vmem>>
      %dma_start3A_65 = tpu.memref_slice %arg2[%add3A_36] : memref<16384xi32, #tpu.memory_space<hbm>> -> memref<128xi32, #tpu.memory_space<hbm>>
      tpu.enqueue_dma source(%dma_start3A_65 : memref<128xi32, #tpu.memory_space<hbm>>) target(%dma_start3A_64 : memref<128xi32, #tpu.memory_space<vmem>>) target_semaphore(%run_scoped3A_58 : memref<!tpu.dma_semaphore, #tpu.memory_space<semaphore_mem>>)
      %dma_wait3A = arith.constant 0 : i32
      %dma_wait3A_66 = tpu.memref_slice %arg6[%run_scoped3A, %dma_wait3A] : memref<4x128xi32, #tpu.memory_space<vmem>> -> memref<1x128xi32, #tpu.memory_space<vmem>>
      %dma_wait3A_67 = tpu.memref_squeeze %dma_wait3A_66 : memref<1x128xi32, #tpu.memory_space<vmem>> -> memref<128xi32, #tpu.memory_space<vmem>>
      %dma_wait3A_68 = tpu.memref_slice %arg2[%add3A_36] : memref<16384xi32, #tpu.memory_space<hbm>> -> memref<128xi32, #tpu.memory_space<hbm>>
      %dma_wait3A_69 = arith.constant 0 : i32
      %dma_wait3A_70 = tpu.memref_slice %arg6[%run_scoped3A, %dma_wait3A_69] : memref<4x128xi32, #tpu.memory_space<vmem>> -> memref<1x128xi32, #tpu.memory_space<vmem>>
      %dma_wait3A_71 = tpu.memref_squeeze %dma_wait3A_70 : memref<1x128xi32, #tpu.memory_space<vmem>> -> memref<128xi32, #tpu.memory_space<vmem>>
      %dma_wait3A_72 = tpu.memref_slice %arg2[%add3A_36] : memref<16384xi32, #tpu.memory_space<hbm>> -> memref<128xi32, #tpu.memory_space<hbm>>
      tpu.wait_dma2 semaphore(%run_scoped3A_58 : memref<!tpu.dma_semaphore, #tpu.memory_space<semaphore_mem>>) src(%dma_wait3A_72 : memref<128xi32, #tpu.memory_space<hbm>>) dst(%dma_wait3A_71 : memref<128xi32, #tpu.memory_space<vmem>>)
      tpu.yield
    }) : () -> ()
    %add3A_37 = arith.constant 128 : i32
    %add3A_38 = arith.addi %add3A_34, %add3A_37 : i32
    %run_scoped3A_39 = arith.constant 1 : i32
    "tpu.region"() ({
      %run_scoped3A_58 = tpu.sem_alloc : memref<!tpu.dma_semaphore, #tpu.memory_space<semaphore_mem>>
      %dma_start3A = arith.constant 0 : i32
      %dma_start3A_59 = tpu.memref_slice %arg6[%run_scoped3A_39, %dma_start3A] : memref<4x128xi32, #tpu.memory_space<vmem>> -> memref<1x128xi32, #tpu.memory_space<vmem>>
      %dma_start3A_60 = tpu.memref_squeeze %dma_start3A_59 : memref<1x128xi32, #tpu.memory_space<vmem>> -> memref<128xi32, #tpu.memory_space<vmem>>
      %dma_start3A_61 = tpu.memref_slice %arg2[%add3A_38] : memref<16384xi32, #tpu.memory_space<hbm>> -> memref<128xi32, #tpu.memory_space<hbm>>
      %dma_start3A_62 = arith.constant 0 : i32
      %dma_start3A_63 = tpu.memref_slice %arg6[%run_scoped3A_39, %dma_start3A_62] : memref<4x128xi32, #tpu.memory_space<vmem>> -> memref<1x128xi32, #tpu.memory_space<vmem>>
      %dma_start3A_64 = tpu.memref_squeeze %dma_start3A_63 : memref<1x128xi32, #tpu.memory_space<vmem>> -> memref<128xi32, #tpu.memory_space<vmem>>
      %dma_start3A_65 = tpu.memref_slice %arg2[%add3A_38] : memref<16384xi32, #tpu.memory_space<hbm>> -> memref<128xi32, #tpu.memory_space<hbm>>
      tpu.enqueue_dma source(%dma_start3A_65 : memref<128xi32, #tpu.memory_space<hbm>>) target(%dma_start3A_64 : memref<128xi32, #tpu.memory_space<vmem>>) target_semaphore(%run_scoped3A_58 : memref<!tpu.dma_semaphore, #tpu.memory_space<semaphore_mem>>)
      %dma_wait3A = arith.constant 0 : i32
      %dma_wait3A_66 = tpu.memref_slice %arg6[%run_scoped3A_39, %dma_wait3A] : memref<4x128xi32, #tpu.memory_space<vmem>> -> memref<1x128xi32, #tpu.memory_space<vmem>>
      %dma_wait3A_67 = tpu.memref_squeeze %dma_wait3A_66 : memref<1x128xi32, #tpu.memory_space<vmem>> -> memref<128xi32, #tpu.memory_space<vmem>>
      %dma_wait3A_68 = tpu.memref_slice %arg2[%add3A_38] : memref<16384xi32, #tpu.memory_space<hbm>> -> memref<128xi32, #tpu.memory_space<hbm>>
      %dma_wait3A_69 = arith.constant 0 : i32
      %dma_wait3A_70 = tpu.memref_slice %arg6[%run_scoped3A_39, %dma_wait3A_69] : memref<4x128xi32, #tpu.memory_space<vmem>> -> memref<1x128xi32, #tpu.memory_space<vmem>>
      %dma_wait3A_71 = tpu.memref_squeeze %dma_wait3A_70 : memref<1x128xi32, #tpu.memory_space<vmem>> -> memref<128xi32, #tpu.memory_space<vmem>>
      %dma_wait3A_72 = tpu.memref_slice %arg2[%add3A_38] : memref<16384xi32, #tpu.memory_space<hbm>> -> memref<128xi32, #tpu.memory_space<hbm>>
      tpu.wait_dma2 semaphore(%run_scoped3A_58 : memref<!tpu.dma_semaphore, #tpu.memory_space<semaphore_mem>>) src(%dma_wait3A_72 : memref<128xi32, #tpu.memory_space<hbm>>) dst(%dma_wait3A_71 : memref<128xi32, #tpu.memory_space<vmem>>)
      tpu.yield
    }) : () -> ()
    %add3A_40 = arith.constant 256 : i32
    %add3A_41 = arith.addi %add3A_34, %add3A_40 : i32
    %run_scoped3A_42 = arith.constant 2 : i32
    "tpu.region"() ({
      %run_scoped3A_58 = tpu.sem_alloc : memref<!tpu.dma_semaphore, #tpu.memory_space<semaphore_mem>>
      %dma_start3A = arith.constant 0 : i32
      %dma_start3A_59 = tpu.memref_slice %arg6[%run_scoped3A_42, %dma_start3A] : memref<4x128xi32, #tpu.memory_space<vmem>> -> memref<1x128xi32, #tpu.memory_space<vmem>>
      %dma_start3A_60 = tpu.memref_squeeze %dma_start3A_59 : memref<1x128xi32, #tpu.memory_space<vmem>> -> memref<128xi32, #tpu.memory_space<vmem>>
      %dma_start3A_61 = tpu.memref_slice %arg2[%add3A_41] : memref<16384xi32, #tpu.memory_space<hbm>> -> memref<128xi32, #tpu.memory_space<hbm>>
      %dma_start3A_62 = arith.constant 0 : i32
      %dma_start3A_63 = tpu.memref_slice %arg6[%run_scoped3A_42, %dma_start3A_62] : memref<4x128xi32, #tpu.memory_space<vmem>> -> memref<1x128xi32, #tpu.memory_space<vmem>>
      %dma_start3A_64 = tpu.memref_squeeze %dma_start3A_63 : memref<1x128xi32, #tpu.memory_space<vmem>> -> memref<128xi32, #tpu.memory_space<vmem>>
      %dma_start3A_65 = tpu.memref_slice %arg2[%add3A_41] : memref<16384xi32, #tpu.memory_space<hbm>> -> memref<128xi32, #tpu.memory_space<hbm>>
      tpu.enqueue_dma source(%dma_start3A_65 : memref<128xi32, #tpu.memory_space<hbm>>) target(%dma_start3A_64 : memref<128xi32, #tpu.memory_space<vmem>>) target_semaphore(%run_scoped3A_58 : memref<!tpu.dma_semaphore, #tpu.memory_space<semaphore_mem>>)
      %dma_wait3A = arith.constant 0 : i32
      %dma_wait3A_66 = tpu.memref_slice %arg6[%run_scoped3A_42, %dma_wait3A] : memref<4x128xi32, #tpu.memory_space<vmem>> -> memref<1x128xi32, #tpu.memory_space<vmem>>
      %dma_wait3A_67 = tpu.memref_squeeze %dma_wait3A_66 : memref<1x128xi32, #tpu.memory_space<vmem>> -> memref<128xi32, #tpu.memory_space<vmem>>
      %dma_wait3A_68 = tpu.memref_slice %arg2[%add3A_41] : memref<16384xi32, #tpu.memory_space<hbm>> -> memref<128xi32, #tpu.memory_space<hbm>>
      %dma_wait3A_69 = arith.constant 0 : i32
      %dma_wait3A_70 = tpu.memref_slice %arg6[%run_scoped3A_42, %dma_wait3A_69] : memref<4x128xi32, #tpu.memory_space<vmem>> -> memref<1x128xi32, #tpu.memory_space<vmem>>
      %dma_wait3A_71 = tpu.memref_squeeze %dma_wait3A_70 : memref<1x128xi32, #tpu.memory_space<vmem>> -> memref<128xi32, #tpu.memory_space<vmem>>
      %dma_wait3A_72 = tpu.memref_slice %arg2[%add3A_41] : memref<16384xi32, #tpu.memory_space<hbm>> -> memref<128xi32, #tpu.memory_space<hbm>>
      tpu.wait_dma2 semaphore(%run_scoped3A_58 : memref<!tpu.dma_semaphore, #tpu.memory_space<semaphore_mem>>) src(%dma_wait3A_72 : memref<128xi32, #tpu.memory_space<hbm>>) dst(%dma_wait3A_71 : memref<128xi32, #tpu.memory_space<vmem>>)
      tpu.yield
    }) : () -> ()
    %add3A_43 = arith.constant 384 : i32
    %add3A_44 = arith.addi %add3A_34, %add3A_43 : i32
    %run_scoped3A_45 = arith.constant 3 : i32
    "tpu.region"() ({
      %run_scoped3A_58 = tpu.sem_alloc : memref<!tpu.dma_semaphore, #tpu.memory_space<semaphore_mem>>
      %dma_start3A = arith.constant 0 : i32
      %dma_start3A_59 = tpu.memref_slice %arg6[%run_scoped3A_45, %dma_start3A] : memref<4x128xi32, #tpu.memory_space<vmem>> -> memref<1x128xi32, #tpu.memory_space<vmem>>
      %dma_start3A_60 = tpu.memref_squeeze %dma_start3A_59 : memref<1x128xi32, #tpu.memory_space<vmem>> -> memref<128xi32, #tpu.memory_space<vmem>>
      %dma_start3A_61 = tpu.memref_slice %arg2[%add3A_44] : memref<16384xi32, #tpu.memory_space<hbm>> -> memref<128xi32, #tpu.memory_space<hbm>>
      %dma_start3A_62 = arith.constant 0 : i32
      %dma_start3A_63 = tpu.memref_slice %arg6[%run_scoped3A_45, %dma_start3A_62] : memref<4x128xi32, #tpu.memory_space<vmem>> -> memref<1x128xi32, #tpu.memory_space<vmem>>
      %dma_start3A_64 = tpu.memref_squeeze %dma_start3A_63 : memref<1x128xi32, #tpu.memory_space<vmem>> -> memref<128xi32, #tpu.memory_space<vmem>>
      %dma_start3A_65 = tpu.memref_slice %arg2[%add3A_44] : memref<16384xi32, #tpu.memory_space<hbm>> -> memref<128xi32, #tpu.memory_space<hbm>>
      tpu.enqueue_dma source(%dma_start3A_65 : memref<128xi32, #tpu.memory_space<hbm>>) target(%dma_start3A_64 : memref<128xi32, #tpu.memory_space<vmem>>) target_semaphore(%run_scoped3A_58 : memref<!tpu.dma_semaphore, #tpu.memory_space<semaphore_mem>>)
      %dma_wait3A = arith.constant 0 : i32
      %dma_wait3A_66 = tpu.memref_slice %arg6[%run_scoped3A_45, %dma_wait3A] : memref<4x128xi32, #tpu.memory_space<vmem>> -> memref<1x128xi32, #tpu.memory_space<vmem>>
      %dma_wait3A_67 = tpu.memref_squeeze %dma_wait3A_66 : memref<1x128xi32, #tpu.memory_space<vmem>> -> memref<128xi32, #tpu.memory_space<vmem>>
      %dma_wait3A_68 = tpu.memref_slice %arg2[%add3A_44] : memref<16384xi32, #tpu.memory_space<hbm>> -> memref<128xi32, #tpu.memory_space<hbm>>
      %dma_wait3A_69 = arith.constant 0 : i32
      %dma_wait3A_70 = tpu.memref_slice %arg6[%run_scoped3A_45, %dma_wait3A_69] : memref<4x128xi32, #tpu.memory_space<vmem>> -> memref<1x128xi32, #tpu.memory_space<vmem>>
      %dma_wait3A_71 = tpu.memref_squeeze %dma_wait3A_70 : memref<1x128xi32, #tpu.memory_space<vmem>> -> memref<128xi32, #tpu.memory_space<vmem>>
      %dma_wait3A_72 = tpu.memref_slice %arg2[%add3A_44] : memref<16384xi32, #tpu.memory_space<hbm>> -> memref<128xi32, #tpu.memory_space<hbm>>
      tpu.wait_dma2 semaphore(%run_scoped3A_58 : memref<!tpu.dma_semaphore, #tpu.memory_space<semaphore_mem>>) src(%dma_wait3A_72 : memref<128xi32, #tpu.memory_space<hbm>>) dst(%dma_wait3A_71 : memref<128xi32, #tpu.memory_space<vmem>>)
      tpu.yield
    }) : () -> ()
    %barrier3A = arith.constant 0 : index
    tpu.barrier barrier_id(%barrier3A)
    %run_scoped3A_46 = arith.constant 0 : i32
    "tpu.region"() ({
      %run_scoped3A_58 = tpu.sem_alloc : memref<!tpu.dma_semaphore, #tpu.memory_space<semaphore_mem>>
      %dma_start3A = arith.constant 0 : i32
      %dma_start3A_59 = tpu.memref_slice %arg6[%run_scoped3A_46, %dma_start3A] : memref<4x128xi32, #tpu.memory_space<vmem>> -> memref<1x128xi32, #tpu.memory_space<vmem>>
      %dma_start3A_60 = tpu.memref_squeeze %dma_start3A_59 : memref<1x128xi32, #tpu.memory_space<vmem>> -> memref<128xi32, #tpu.memory_space<vmem>>
      %dma_start3A_61 = arith.constant 0 : i32
      %dma_start3A_62 = tpu.memref_slice %arg9[%dma_start3A_61] : memref<1048576xf32, #tpu.memory_space<vmem_shared>> -> memref<1048576xf32, #tpu.memory_space<vmem_shared>>
      tpu.enqueue_indirect_dma source(%arg7 : memref<128xf32, #tpu.memory_space<vmem>>) target(%dma_start3A_62 : memref<1048576xf32, #tpu.memory_space<vmem_shared>>) offsets(%dma_start3A_60 : memref<128xi32, #tpu.memory_space<vmem>>) semaphore(%run_scoped3A_58 : memref<!tpu.dma_semaphore, #tpu.memory_space<semaphore_mem>>) {add = true}
      %dma_wait3A = arith.constant 0 : i32
      %dma_wait3A_63 = tpu.memref_slice %arg6[%run_scoped3A_46, %dma_wait3A] : memref<4x128xi32, #tpu.memory_space<vmem>> -> memref<1x128xi32, #tpu.memory_space<vmem>>
      %dma_wait3A_64 = tpu.memref_squeeze %dma_wait3A_63 : memref<1x128xi32, #tpu.memory_space<vmem>> -> memref<128xi32, #tpu.memory_space<vmem>>
      %dma_wait3A_65 = arith.constant 0 : i32
      %dma_wait3A_66 = tpu.memref_slice %arg9[%dma_wait3A_65] : memref<1048576xf32, #tpu.memory_space<vmem_shared>> -> memref<1048576xf32, #tpu.memory_space<vmem_shared>>
      tpu.wait_indirect_dma semaphore(%run_scoped3A_58 : memref<!tpu.dma_semaphore, #tpu.memory_space<semaphore_mem>>) src(%arg7 : memref<128xf32, #tpu.memory_space<vmem>>) dst(%dma_wait3A_66 : memref<1048576xf32, #tpu.memory_space<vmem_shared>>)
      tpu.yield
    }) : () -> ()
    %run_scoped3A_47 = arith.constant 1 : i32
    "tpu.region"() ({
      %run_scoped3A_58 = tpu.sem_alloc : memref<!tpu.dma_semaphore, #tpu.memory_space<semaphore_mem>>
      %dma_start3A = arith.constant 0 : i32
      %dma_start3A_59 = tpu.memref_slice %arg6[%run_scoped3A_47, %dma_start3A] : memref<4x128xi32, #tpu.memory_space<vmem>> -> memref<1x128xi32, #tpu.memory_space<vmem>>
      %dma_start3A_60 = tpu.memref_squeeze %dma_start3A_59 : memref<1x128xi32, #tpu.memory_space<vmem>> -> memref<128xi32, #tpu.memory_space<vmem>>
      %dma_start3A_61 = arith.constant 0 : i32
      %dma_start3A_62 = tpu.memref_slice %arg9[%dma_start3A_61] : memref<1048576xf32, #tpu.memory_space<vmem_shared>> -> memref<1048576xf32, #tpu.memory_space<vmem_shared>>
      tpu.enqueue_indirect_dma source(%arg7 : memref<128xf32, #tpu.memory_space<vmem>>) target(%dma_start3A_62 : memref<1048576xf32, #tpu.memory_space<vmem_shared>>) offsets(%dma_start3A_60 : memref<128xi32, #tpu.memory_space<vmem>>) semaphore(%run_scoped3A_58 : memref<!tpu.dma_semaphore, #tpu.memory_space<semaphore_mem>>) {add = true}
      %dma_wait3A = arith.constant 0 : i32
      %dma_wait3A_63 = tpu.memref_slice %arg6[%run_scoped3A_47, %dma_wait3A] : memref<4x128xi32, #tpu.memory_space<vmem>> -> memref<1x128xi32, #tpu.memory_space<vmem>>
      %dma_wait3A_64 = tpu.memref_squeeze %dma_wait3A_63 : memref<1x128xi32, #tpu.memory_space<vmem>> -> memref<128xi32, #tpu.memory_space<vmem>>
      %dma_wait3A_65 = arith.constant 0 : i32
      %dma_wait3A_66 = tpu.memref_slice %arg9[%dma_wait3A_65] : memref<1048576xf32, #tpu.memory_space<vmem_shared>> -> memref<1048576xf32, #tpu.memory_space<vmem_shared>>
      tpu.wait_indirect_dma semaphore(%run_scoped3A_58 : memref<!tpu.dma_semaphore, #tpu.memory_space<semaphore_mem>>) src(%arg7 : memref<128xf32, #tpu.memory_space<vmem>>) dst(%dma_wait3A_66 : memref<1048576xf32, #tpu.memory_space<vmem_shared>>)
      tpu.yield
    }) : () -> ()
    %run_scoped3A_48 = arith.constant 2 : i32
    "tpu.region"() ({
      %run_scoped3A_58 = tpu.sem_alloc : memref<!tpu.dma_semaphore, #tpu.memory_space<semaphore_mem>>
      %dma_start3A = arith.constant 0 : i32
      %dma_start3A_59 = tpu.memref_slice %arg6[%run_scoped3A_48, %dma_start3A] : memref<4x128xi32, #tpu.memory_space<vmem>> -> memref<1x128xi32, #tpu.memory_space<vmem>>
      %dma_start3A_60 = tpu.memref_squeeze %dma_start3A_59 : memref<1x128xi32, #tpu.memory_space<vmem>> -> memref<128xi32, #tpu.memory_space<vmem>>
      %dma_start3A_61 = arith.constant 0 : i32
      %dma_start3A_62 = tpu.memref_slice %arg9[%dma_start3A_61] : memref<1048576xf32, #tpu.memory_space<vmem_shared>> -> memref<1048576xf32, #tpu.memory_space<vmem_shared>>
      tpu.enqueue_indirect_dma source(%arg7 : memref<128xf32, #tpu.memory_space<vmem>>) target(%dma_start3A_62 : memref<1048576xf32, #tpu.memory_space<vmem_shared>>) offsets(%dma_start3A_60 : memref<128xi32, #tpu.memory_space<vmem>>) semaphore(%run_scoped3A_58 : memref<!tpu.dma_semaphore, #tpu.memory_space<semaphore_mem>>) {add = true}
      %dma_wait3A = arith.constant 0 : i32
      %dma_wait3A_63 = tpu.memref_slice %arg6[%run_scoped3A_48, %dma_wait3A] : memref<4x128xi32, #tpu.memory_space<vmem>> -> memref<1x128xi32, #tpu.memory_space<vmem>>
      %dma_wait3A_64 = tpu.memref_squeeze %dma_wait3A_63 : memref<1x128xi32, #tpu.memory_space<vmem>> -> memref<128xi32, #tpu.memory_space<vmem>>
      %dma_wait3A_65 = arith.constant 0 : i32
      %dma_wait3A_66 = tpu.memref_slice %arg9[%dma_wait3A_65] : memref<1048576xf32, #tpu.memory_space<vmem_shared>> -> memref<1048576xf32, #tpu.memory_space<vmem_shared>>
      tpu.wait_indirect_dma semaphore(%run_scoped3A_58 : memref<!tpu.dma_semaphore, #tpu.memory_space<semaphore_mem>>) src(%arg7 : memref<128xf32, #tpu.memory_space<vmem>>) dst(%dma_wait3A_66 : memref<1048576xf32, #tpu.memory_space<vmem_shared>>)
      tpu.yield
    }) : () -> ()
    %run_scoped3A_49 = arith.constant 3 : i32
    "tpu.region"() ({
      %run_scoped3A_58 = tpu.sem_alloc : memref<!tpu.dma_semaphore, #tpu.memory_space<semaphore_mem>>
      %dma_start3A = arith.constant 0 : i32
      %dma_start3A_59 = tpu.memref_slice %arg6[%run_scoped3A_49, %dma_start3A] : memref<4x128xi32, #tpu.memory_space<vmem>> -> memref<1x128xi32, #tpu.memory_space<vmem>>
      %dma_start3A_60 = tpu.memref_squeeze %dma_start3A_59 : memref<1x128xi32, #tpu.memory_space<vmem>> -> memref<128xi32, #tpu.memory_space<vmem>>
      %dma_start3A_61 = arith.constant 0 : i32
      %dma_start3A_62 = tpu.memref_slice %arg9[%dma_start3A_61] : memref<1048576xf32, #tpu.memory_space<vmem_shared>> -> memref<1048576xf32, #tpu.memory_space<vmem_shared>>
      tpu.enqueue_indirect_dma source(%arg7 : memref<128xf32, #tpu.memory_space<vmem>>) target(%dma_start3A_62 : memref<1048576xf32, #tpu.memory_space<vmem_shared>>) offsets(%dma_start3A_60 : memref<128xi32, #tpu.memory_space<vmem>>) semaphore(%run_scoped3A_58 : memref<!tpu.dma_semaphore, #tpu.memory_space<semaphore_mem>>) {add = true}
      %dma_wait3A = arith.constant 0 : i32
      %dma_wait3A_63 = tpu.memref_slice %arg6[%run_scoped3A_49, %dma_wait3A] : memref<4x128xi32, #tpu.memory_space<vmem>> -> memref<1x128xi32, #tpu.memory_space<vmem>>
      %dma_wait3A_64 = tpu.memref_squeeze %dma_wait3A_63 : memref<1x128xi32, #tpu.memory_space<vmem>> -> memref<128xi32, #tpu.memory_space<vmem>>
      %dma_wait3A_65 = arith.constant 0 : i32
      %dma_wait3A_66 = tpu.memref_slice %arg9[%dma_wait3A_65] : memref<1048576xf32, #tpu.memory_space<vmem_shared>> -> memref<1048576xf32, #tpu.memory_space<vmem_shared>>
      tpu.wait_indirect_dma semaphore(%run_scoped3A_58 : memref<!tpu.dma_semaphore, #tpu.memory_space<semaphore_mem>>) src(%arg7 : memref<128xf32, #tpu.memory_space<vmem>>) dst(%dma_wait3A_66 : memref<1048576xf32, #tpu.memory_space<vmem_shared>>)
      tpu.yield
    }) : () -> ()
    %barrier3A_50 = arith.constant 0 : index
    tpu.barrier barrier_id(%barrier3A_50)
    %mul3A_51 = arith.constant 65536 : i32
    %mul3A_52 = arith.muli %arg1, %mul3A_51 : i32
    %mul3A_53 = arith.constant 1048576 : i32
    %mul3A_54 = arith.muli %arg0, %mul3A_53 : i32
    %mul3A_55 = arith.constant 65536 : i32
    %mul3A_56 = arith.muli %arg1, %mul3A_55 : i32
    %add3A_57 = arith.addi %mul3A_54, %mul3A_56 : i32
    "tpu.region"() ({
      %run_scoped3A_58 = tpu.sem_alloc : memref<!tpu.dma_semaphore, #tpu.memory_space<semaphore_mem>>
      %dma_start3A = tpu.memref_slice %arg5[%add3A_57] : memref<2097152xf32, #tpu.memory_space<hbm>> -> memref<65536xf32, #tpu.memory_space<hbm>>
      %dma_start3A_59 = tpu.memref_slice %arg9[%mul3A_52] : memref<1048576xf32, #tpu.memory_space<vmem_shared>> -> memref<65536xf32, #tpu.memory_space<vmem_shared>>
      tpu.enqueue_dma source(%dma_start3A_59 : memref<65536xf32, #tpu.memory_space<vmem_shared>>) target(%dma_start3A : memref<65536xf32, #tpu.memory_space<hbm>>) target_semaphore(%run_scoped3A_58 : memref<!tpu.dma_semaphore, #tpu.memory_space<semaphore_mem>>)
      %dma_wait3A = tpu.memref_slice %arg5[%add3A_57] : memref<2097152xf32, #tpu.memory_space<hbm>> -> memref<65536xf32, #tpu.memory_space<hbm>>
      %dma_wait3A_60 = tpu.memref_slice %arg9[%mul3A_52] : memref<1048576xf32, #tpu.memory_space<vmem_shared>> -> memref<65536xf32, #tpu.memory_space<vmem_shared>>
      tpu.wait_dma2 semaphore(%run_scoped3A_58 : memref<!tpu.dma_semaphore, #tpu.memory_space<semaphore_mem>>) src(%dma_wait3A_60 : memref<65536xf32, #tpu.memory_space<vmem_shared>>) dst(%dma_wait3A : memref<65536xf32, #tpu.memory_space<hbm>>)
      tpu.yield
    }) : () -> ()
    return
  }
}

module attributes {stable_mosaic.version = 14 : i64} {
  func.func @_matvec_body(%arg0: i32, %arg1: memref<64x32768xf32, #tpu.memory_space<vmem>>, %arg2: memref<1x32768xf32, #tpu.memory_space<vmem>>, %arg3: memref<1x32768xf32, #tpu.memory_space<vmem>>, %arg4: memref<1x64xf32, #tpu.memory_space<vmem>>, %arg5: memref<1x64xf32, #tpu.memory_space<vmem>>, %arg6: memref<64x32768xf32, #tpu.memory_space<vmem>>) attributes {dimension_semantics = [#tpu.dimension_semantics<arbitrary>], iteration_bounds = array<i64: 31>, scalar_prefetch = 0 : i64, scratch_operands = 1 : i64, tpu.core_type = #tpu.core_type<tc>, window_params = [{transform_indices = @transform_0, window_bounds = array<i64: 64, 32768>}, {transform_indices = @transform_1, window_bounds = array<i64: 1, 32768>}, {transform_indices = @transform_2, window_bounds = array<i64: 1, 32768>}, {pipeline_mode = #tpu.pipeline_mode<synchronous>, transform_indices = @transform_3, window_bounds = array<i64: 1, 64>}, {pipeline_mode = #tpu.pipeline_mode<synchronous>, transform_indices = @transform_4, window_bounds = array<i64: 1, 64>}]} {
    %eq3A = arith.constant 0 : i32
    %eq3A_0 = arith.cmpi eq, %arg0, %eq3A : i32
    %convert_element_type3A = arith.extui %eq3A_0 : i1 to i32
    %cond3A = arith.constant 0 : i32
    %cond3A_1 = arith.cmpi ne, %convert_element_type3A, %cond3A : i32
    scf.if %cond3A_1 {
      %broadcast_in_dim3A = arith.constant 0.000000e+00 : f32
      %broadcast_in_dim3A_22 = vector.broadcast %broadcast_in_dim3A : f32 to vector<64x32768xf32>
      %swap3A_23 = arith.constant 0 : index
      %swap3A_24 = arith.constant 0 : index
      %swap3A_25 = vector.load %arg6[%swap3A_23, %swap3A_24] : memref<64x32768xf32, #tpu.memory_space<vmem>>, vector<64x32768xf32>
      tpu.vector_store %arg6[%swap3A_23, %swap3A_24], %broadcast_in_dim3A_22 {strides = array<i32>} : memref<64x32768xf32, #tpu.memory_space<vmem>>, vector<64x32768xf32>,
    } else {
    }
    %get3A = arith.constant 0 : index
    %get3A_2 = arith.constant 0 : index
    %get3A_3 = vector.load %arg2[%get3A, %get3A_2] : memref<1x32768xf32, #tpu.memory_space<vmem>>, vector<1x32768xf32>
    %get3A_4 = arith.constant 0 : index
    %get3A_5 = arith.constant 0 : index
    %get3A_6 = vector.load %arg3[%get3A_4, %get3A_5] : memref<1x32768xf32, #tpu.memory_space<vmem>>, vector<1x32768xf32>
    %add3A = arith.addf %get3A_3, %get3A_6 : vector<1x32768xf32>
    %get3A_7 = arith.constant 0 : index
    %get3A_8 = arith.constant 0 : index
    %get3A_9 = vector.load %arg6[%get3A_7, %get3A_8] : memref<64x32768xf32, #tpu.memory_space<vmem>>, vector<64x32768xf32>
    %get3A_10 = arith.constant 0 : index
    %get3A_11 = arith.constant 0 : index
    %get3A_12 = vector.load %arg1[%get3A_10, %get3A_11] : memref<64x32768xf32, #tpu.memory_space<vmem>>, vector<64x32768xf32>
    %mul3A = vector.broadcast %add3A : vector<1x32768xf32> to vector<64x32768xf32>
    %mul3A_13 = arith.mulf %get3A_12, %mul3A : vector<64x32768xf32>
    %add3A_14 = arith.addf %get3A_9, %mul3A_13 : vector<64x32768xf32>
    %swap3A = arith.constant 0 : index
    %swap3A_15 = arith.constant 0 : index
    %swap3A_16 = vector.load %arg6[%swap3A, %swap3A_15] : memref<64x32768xf32, #tpu.memory_space<vmem>>, vector<64x32768xf32>
    tpu.vector_store %arg6[%swap3A, %swap3A_15], %add3A_14 {strides = array<i32>} : memref<64x32768xf32, #tpu.memory_space<vmem>>, vector<64x32768xf32>,
    %eq3A_17 = arith.constant 30 : i32
    %eq3A_18 = arith.cmpi eq, %arg0, %eq3A_17 : i32
    %convert_element_type3A_19 = arith.extui %eq3A_18 : i1 to i32
    %cond3A_20 = arith.constant 0 : i32
    %cond3A_21 = arith.cmpi ne, %convert_element_type3A_19, %cond3A_20 : i32
    scf.if %cond3A_21 {
      %get3A_22 = arith.constant 0 : index
      %get3A_23 = arith.constant 0 : index
      %get3A_24 = vector.load %arg6[%get3A_22, %get3A_23] : memref<64x32768xf32, #tpu.memory_space<vmem>>, vector<64x32768xf32>
      %reduce_sum3A = arith.constant dense<0.000000e+00> : vector<64xf32>
      %reduce_sum3A_25 = vector.multi_reduction <add>, %get3A_24, %reduce_sum3A [1] : vector<64x32768xf32> to vector<64xf32>
      %broadcast_in_dim3A = vector.shape_cast %reduce_sum3A_25 : vector<64xf32> to vector<1x64xf32>
      %get3A_26 = arith.constant 0 : index
      %get3A_27 = arith.constant 0 : index
      %get3A_28 = vector.load %arg4[%get3A_26, %get3A_27] : memref<1x64xf32, #tpu.memory_space<vmem>>, vector<1x64xf32>
      %add3A_29 = arith.addf %broadcast_in_dim3A, %get3A_28 : vector<1x64xf32>
      %swap3A_30 = arith.constant 0 : index
      %swap3A_31 = arith.constant 0 : index
      %swap3A_32 = vector.load %arg5[%swap3A_30, %swap3A_31] : memref<1x64xf32, #tpu.memory_space<vmem>>, vector<1x64xf32>
      tpu.vector_store %arg5[%swap3A_30, %swap3A_31], %add3A_29 {strides = array<i32>} : memref<1x64xf32, #tpu.memory_space<vmem>>, vector<1x64xf32>,
    } else {
    }
    return
  }
  func.func @transform_0(%arg0: i32) -> (i32, i32) {
    %c0_i32 = arith.constant 0 : i32
    %c0_i32_0 = arith.constant 0 : i32
    return %c0_i32, %arg0 : i32, i32
  }
  func.func @transform_1(%arg0: i32) -> (i32, i32) {
    %c0_i32 = arith.constant 0 : i32
    %c0_i32_0 = arith.constant 0 : i32
    return %c0_i32, %arg0 : i32, i32
  }
  func.func @transform_2(%arg0: i32) -> (i32, i32) {
    %add3A = arith.constant 32 : i32
    %add3A_0 = arith.addi %add3A, %arg0 : i32
    %c0_i32 = arith.constant 0 : i32
    %c0_i32_1 = arith.constant 0 : i32
    return %c0_i32, %add3A_0 : i32, i32
  }
  func.func @transform_3(%arg0: i32) -> (i32, i32) {
    %c0_i32 = arith.constant 0 : i32
    %c0_i32_0 = arith.constant 0 : i32
    %c0_i32_1 = arith.constant 0 : i32
    return %c0_i32, %c0_i32_0 : i32, i32
  }
  func.func @transform_4(%arg0: i32) -> (i32, i32) {
    %c0_i32 = arith.constant 0 : i32
    %c0_i32_0 = arith.constant 0 : i32
    %c0_i32_1 = arith.constant 0 : i32
    return %c0_i32, %c0_i32_0 : i32, i32
  }
}

</mosaic_0001>

<sc_bundles>
// kernel: kernel.4.cloned.1.call-start
scs
__scs_entry_jumppad:
0x0: {  	(pc) =	sbr.rel $0x88, $3  }
0x1: {  	(tag) =	ssettag $0x0;
	lr =	simm.s32 $0x1  }
0x2: {  	[smem:$0x3F9E] =	sst lr;
	_ =	strace $0xD0000000  }
0x3: {  	_ = 	snop  }
0x4: {  	_ = 	snop  }
0x5: {  	_ = 	snop  }
0x6: {  	_ = 	snop  }
0x7: {  	_ = 	snop  }
__scs_overlays_trampoline_lowered:
0x8: {  	[smem:$0x3FAD] =	sst s0  }
0x9: {  	[smem:$0x3FAE] =	sst s1  }
0xa: {  	[smem:$0x3FAF] =	sst s2  }
0xb: {  	[smem:$0x3FB0] =	sst s3  }
0xc: {  	[smem:$0x3FB1] =	sst s4  }
0xd: {  	[smem:$0x3FB2] =	sst s5  }
0xe: {  	[smem:$0x3FB3] =	sst s6  }
0xf: {  	[smem:$0x3FB4] =	sst s7  }
0x10: {  	[smem:$0x3FB5] =	sst s8  }
0x11: {  	[smem:$0x3FB6] =	sst s9;
	s0 =	simm.s32 @!p0 $0x0  }
0x12: {  	s1 =	sld [smem:$0x3F9C];
	s0 =	simm.s32 @p0 $0x1  }
0x13: {  	[smem:$0x3FB7] =	sst s0;
	s0 =	simm.s32 @!p1 $0x0  }
0x14: {  	s2 =	sld [smem:$0x3F9B];
	s0 =	simm.s32 @p1 $0x1  }
0x15: {  	[smem:$0x3FB8] =	sst s0;
	s0 =	simm.s32 @!p2 $0x0  }
0x16: {  	s3 =	sld [smem:$0x3FDB];
	s0 =	simm.s32 @p2 $0x1  }
0x17: {  	s4 =	simm.s32 $0x1BF5;
	[smem:$0x3FBA] =	sst s0  }
0x18: {  	s0 =	sld [smem:$0x3F9D];
	_ =	swait.ge [sflag:s4], $0x0  }
0x19: {  	s7 =	sld [smem:$0x3F9E]  }
0x1a: {  	s8 =	sadd.s32 $0xFFFFE003, lr  }
0x1b: {  	s9 =	sadd.s32 $0xFFFFFEF7, lr;
	s5 =	simm.s32 $0xFFFFFFFF;
	p2 =	slt.u32 s8, $0xFFFFF086  }
0x1c: {  	p1 =	slt.u32 s9, $0xF7A;
	s5 =	simm.s32 @!p2 $0x0  }
0x1d: {  	s5 =	simm.s32 @p1 $0x1;
	p0 =	seq.s32 s7, s2  }
0x1e: {  	s7 =	smul.u32 @!p0 $0xF7A, s2;
	p2 =	seq.s32 @!p0 s5, $0x0  }
0x1f: {  	s9 =	smul.u32 $0xF7A, s1;
	s8 =	simm.s32 @!p0 $0x1BF5;
	p2 =	por !p2, p0  }
0x20: {  	[sflag:s8] =	ssyncset.s32 @!p0 $0xFFFFF086;
	s6 =	sadd.s32 @!p0 s3, s7;
	s7 =	simm.s32 @!p0 $0x108  }
0x21: {  	s3 =	sadd.s32 s3, s9;
	s6 =	sadd.s32 @!p0 $0x88, s6;
	s7 =	simm.s32 @p2 $0x1082  }
0x22: {  	[simem:s7], [sflag:s8] =	dma.local @!p0 [hbm:s6], $0xF7A  }
0x23: {  	s9 =	sor.u32 $0xD0000000, s2;
	s6 =	simm.s32 $0x108;
	_ =	swait.ge @!p0 [sflag:s8], $0x0  }
0x24: {  	s3 =	sadd.s32 $0x88, s3;
	s6 =	simm.s32 @!p1 $0x1082;
	[sflag:s4] =	ssyncset.s32 $0xFFFFF086  }
0x25: {  	[simem:s6], [sflag:s4] =	dma.local [hbm:s3], $0xF7A  }
0x26: {  	[smem:$0x3F9E] =	sst s1;
	(tag) =	ssettag s2;
	_ =	strace s9  }
0x27: {  	s1 =	sld [smem:$0x3FAE]  }
0x28: {  	s2 =	sld [smem:$0x3FAF]  }
0x29: {  	s4 =	sld [smem:$0x3FB1]  }
0x2a: {  	p0 =	seq.s32 s5, $0x0;
	s5 =	sld [smem:$0x3FB2]  }
0x2b: {  	s6 =	sld [smem:$0x3FB3]  }
0x2c: {  	s7 =	sld [smem:$0x3FB4]  }
0x2d: {  	s3 =	simm.s32 $0x108;
	s8 =	sld [smem:$0x3FB5]  }
0x2e: {  	s3 =	simm.s32 @!p0 $0x1082;
	s9 =	sld [smem:$0x3FB6]  }
0x2f: {  	lr =	sadd.s32 s0, s3;
	s0 =	sld [smem:$0x3FAD]  }
0x30: {  	s3 =	sld [smem:$0x3FB0]  }
0x31: {  	[smem:$0x3FB9] =	sst s10  }
0x32: {  	s10 =	sld [smem:$0x3FB7];
	_ =	sdelay $0x3  }
0x33: {  	p0 =	seq.s32 s10, $0x1;
	s10 =	sld [smem:$0x3FB9];
	_ =	sdelay $0x3  }
0x34: {  	[smem:$0x3FB9] =	sst s10  }
0x35: {  	s10 =	sld [smem:$0x3FB8];
	_ =	sdelay $0x3  }
0x36: {  	p1 =	seq.s32 s10, $0x1;
	s10 =	sld [smem:$0x3FB9];
	_ =	sdelay $0x3  }
0x37: {  	[smem:$0x3FB9] =	sst s10  }
0x38: {  	s10 =	sld [smem:$0x3FBA]  }
0x39: {  	_ = 	snop;
	(pc) =	sbr.ind lr, $3  }
0x3a: {  	_ = 	snop  }
0x3b: {  	_ = 	snop  }
0x3c: {  	p2 =	seq.s32 s10, $0x1;
	s10 =	sld [smem:$0x3FB9]  }
0x3d: {  	_ =	shalt  }
0x3e: {  	_ =	shalt  }
0x3f: {  	_ =	shalt  }
0x40: {  	_ =	shalt  }
0x41: {  	_ =	shalt  }
0x42: {  	_ =	shalt  }
0x43: {  	_ =	shalt  }
0x44: {  	_ =	shalt  }
0x45: {  	_ =	shalt  }
0x46: {  	_ =	shalt  }
0x47: {  	_ =	shalt  }
0x48: {  	_ =	shalt  }
0x49: {  	_ =	shalt  }
0x4a: {  	_ =	shalt  }
0x4b: {  	_ =	shalt  }
0x4c: {  	_ =	shalt  }
0x4d: {  	_ =	shalt  }
0x4e: {  	_ =	shalt  }
0x4f: {  	_ =	shalt  }
0x50: {  	_ =	shalt  }
0x51: {  	_ =	shalt  }
0x52: {  	_ =	shalt  }
0x53: {  	_ =	shalt  }
0x54: {  	_ =	shalt  }
0x55: {  	_ =	shalt  }
0x56: {  	_ =	shalt  }
0x57: {  	_ =	shalt  }
0x58: {  	_ =	shalt  }
0x59: {  	_ =	shalt  }
0x5a: {  	_ =	shalt  }
0x5b: {  	_ =	shalt  }
0x5c: {  	_ =	shalt  }
0x5d: {  	_ =	shalt  }
0x5e: {  	_ =	shalt  }
0x5f: {  	_ =	shalt  }
0x60: {  	_ =	shalt  }
0x61: {  	_ =	shalt  }
0x62: {  	_ =	shalt  }
0x63: {  	_ =	shalt  }
0x64: {  	_ =	shalt  }
0x65: {  	_ =	shalt  }
0x66: {  	_ =	shalt  }
0x67: {  	_ =	shalt  }
0x68: {  	_ =	shalt  }
0x69: {  	_ =	shalt  }
0x6a: {  	_ =	shalt  }
0x6b: {  	_ =	shalt  }
0x6c: {  	_ =	shalt  }
0x6d: {  	_ =	shalt  }
0x6e: {  	_ =	shalt  }
0x6f: {  	_ =	shalt  }
0x70: {  	_ =	shalt  }
0x71: {  	_ =	shalt  }
0x72: {  	_ =	shalt  }
0x73: {  	_ =	shalt  }
0x74: {  	_ =	shalt  }
0x75: {  	_ =	shalt  }
0x76: {  	_ =	shalt  }
0x77: {  	_ =	shalt  }
0x78: {  	_ =	shalt  }
0x79: {  	_ =	shalt  }
0x7a: {  	_ =	shalt  }
0x7b: {  	_ =	shalt  }
0x7c: {  	_ =	shalt  }
0x7d: {  	_ =	shalt  }
0x7e: {  	_ =	shalt  }
0x7f: {  	_ =	shalt  }
0x80: {  	_ =	shalt  }
0x81: {  	_ =	shalt  }
0x82: {  	_ =	shalt  }
0x83: {  	_ =	shalt  }
0x84: {  	_ =	shalt  }
0x85: {  	_ =	shalt  }
0x86: {  	_ =	shalt  }
0x87: {  	_ =	shalt  }
.Lfunc_end0:
.L_simem_size_0:
called_computation_lowered:
.L_overlay_start_0:
0x88: {  	s2 =	sld [smem:$0x3FD9]  }
0x89: {  	s3 =	sld [smem:$0x3FFE];
	_ =	sdelay $0x1  }
0x8a: {  	s1 =	srdreg.scid  }
0x8b: {  	s0 =	sand.u32 $0x1, s1  }
0x8c: {  	s17 =	sshll.u32 s0, $0xA;
	s2 =	sadd.s32 s3, s2  }
0x8d: {  	s2 =	sadd.s32 s2, s17  }
0x8e: {  	[smem:$0x3FC5] =	sst s2  }
0x8f: {  	_ = 	snop  }
0x90: {  	s2 =	sld [smem:$0x3FC9]  }
0x91: {  	s18 =	sld [smem:$0x3FD0];
	(tm) =	ssettm $0x1  }
0x92: {  	s4 =	sld [smem:$0x3FFB];
	_ =	sdelay $0x3  }
0x93: {  	_ =	strace s4  }
0x94: {  	s4 =	sld [smem:$0x3FFC];
	_ =	sdelay $0x3  }
0x95: {  	_ =	strace s4  }
0x96: {  	s4 =	sld [smem:$0x3FFD];
	_ =	sdelay $0x3  }
0x97: {  	_ =	strace s4  }
0x98: {  	_ =	strace $0x8FFFFFFF  }
0x99: {  	s19 =	sld [smem:$0x3FDB];
	_ =	sdelay $0x1  }
0x9a: {  	s5 =	simm.s32 $_scs_section_size  }
0x9b: {  	s6 =	simm.s32 $_size__tile_overlayer_lowered;
	s7 =	simm.s32 $_tile_overlayer_lowered  }
0x9c: {  	s22 =	simm.s32 $0x1BFF;
	s21 =	sshll.u32 s7, $0x1;
	s4 =	sadd.s32 s5, s19  }
0x9d: {  	s8 =	simm.s32 $0x0;
	s20 =	sshll.u32 s6, $0x1;
	s6 =	sadd.s32 s21, s4  }
0x9e: {  	[timem:s8], [sflag:s22] =	dma.local [hbm:s6], s20  }
0x9f: {  	_ =	swait.ge [sflag:s22], s20  }
0xa0: {  	s5 =	ssub.s32 $0x0, s20;
	[sflag:s22] =	ssyncset.done $0x0  }
0xa1: {  	[sflag:s22] =	ssyncadd.s32 s5;
	_ =	sdelay $0x1  }
0xa2: {  	s23 =	simm.s32 $0x1B8B  }
0xa3: {  	_ =	swait.ge [sflag:s23], $0x1  }
0xa4: {  	[sflag:s23] =	ssyncset.done $0x0  }
0xa5: {  	s25 =	simm.s32 $0x1B8E;
	s24 =	sld [smem:$0x3FFE];
	[sflag:s23] =	ssyncadd.s32 $0xFFFFFFFF  }
0xa6: {  	s26 =	simm.s32 $execute0_lowered;
	[smem:$0x3FD2] =	sst s25  }
0xa7: {  	s6 =	sshll.u32 s26, $0x1;
	_ =	strace $0x80000046;
	[dreg:$0x1] =	wrdreg $0xFFFFFFFF  }
0xa8: {  	s28 =	simm.s32 $_size_execute0_lowered;
	s4 =	sadd.s32 s4, s6;
	[dreg:$0x0] =	wrdreg $0x0  }
0xa9: {  	s6 =	sshll.u32 s28, $0x1;
	[dreg:$0x2] =	wrdreg s4  }
0xaa: {  	[dreg:$0x3] =	wrdreg s6  }
0xab: {  	[dreg:$0x4] =	wrdreg $0xC0  }
0xac: {  	_ =	task [dreg:s8], $0x5FFFF  }
0xad: {  	[dreg:$0x1] =	wrdreg $0xFFFFFFFF  }
0xae: {  	[dreg:$0x0] =	wrdreg $0x60  }
0xaf: {  	[dreg:$0x2] =	wrdreg s2  }
0xb0: {  	[dreg:$0x3] =	wrdreg s24  }
0xb1: {  	[dreg:$0x4] =	wrdreg s18  }
0xb2: {  	[dreg:$0x5] =	wrdreg $0x22800  }
0xb3: {  	[dreg:$0x6] =	wrdreg $0x9  }
0xb4: {  	_ =	task.clear_ibuf [dreg:s8], $0x7FFFF;
	_ =	strace $0x90000046  }
0xb5: {  	s29 =	simm.s32 $0x9;
	_ =	strace $0x80000048  }
0xb6: {  	_ =	swait.ge [sflag:s29], $0x1  }
0xb7: {  	[sflag:s29] =	ssyncadd.s32 $0xFFFFFFFF  }
0xb8: {  	_ =	strace $0x90000048  }
0xb9: {  	_ =	sfence  }
0xba: {  	s30 =	sld [smem:$0x0];
	_ =	sdelay $0x2  }
0xbb: {  	s31 =	sshll.u32 s1, $0xD;
	s1 =	sshrl.u32 s1, $0x2  }
0xbc: {  	s3 =	sand.u32 $0x4000, s31;
	s1 =	sadd.s32 s1, s30  }
0xbd: {  	s0 =	sor.u32 s3, s0;
	s1 =	sshll.u32 s1, $0x11  }
0xbe: {  	s0 =	sor.u32 s1, s0  }
0xbf: {  	s0 =	sadd.s32 $0x8F2B, s0  }
0xc0: {  	[sflag:s0] =	ssyncadd.remote.s32 $0x1  }
0xc1: {  	_ =	sfence.sel $0xFFFF  }
0xc2: {  	[dreg:$0x0] =	wrdreg $0xFFFFFFFF;
	(pc) =	sbr.abs _section_cstart, $3  }
0xc3: {  	[dreg:$0x1] =	wrdreg $0xFFFFFFFF  }
0xc4: {  	_ =	task.clear_ibuf [dreg:s8], $0x2FFFF;
	_ =	strace $0x9FFFFFFF  }
0xc5: {  	(tm) =	ssettm $0x7FFFFFFF  }
tec
execute0_lowered:
.L_overlay_start_1:
0x0: {  	(tag) =	ssettag $0x1  }
0x1: {  	s17 =	rddreg [dreg:$0x0]  }
0x2: {  	s24 =	rddreg [dreg:$0x1]  }
0x3: {  	s1 =	rddreg [dreg:$0x2]  }
0x4: {  	s2 =	rddreg [dreg:$0x3]  }
0x5: {  	s0 =	rddreg [dreg:$0x4];
	s3 =	simm.s32 $0x0  }
0x6: {  	s7 =	simm.s32 $0x280;
	[smem:$0x7FF] =	sst s3  }
0x7: {  	s6 =	simm.s32 $0x1;
	s5 =	sadd.s32 $0x800, s24;
	_ =	strace $0x80000047  }
0x8: {  	[tilespmem:s7], [sflag:$0x1] =	stream.linear.gather [hbm4b:s5+s3], $0x2000, $0x38;
	[tilespmem:$0x12280] =	vst v63  }
0x9: {  	s4 =	stileid.u32;
	_ =	swait.ge [sflag:s6], $0x2000  }
0xa: {  	s25 =	sshll.u32 s4, $0x10;
	[sflag:s6] =	ssyncset.done $0x0  }
0xb: {  	s8 =	sadd.s32 s25, s2;
	[sflag:s6] =	ssyncadd.s32 $0xFFFFE000  }
0xc: {  	[spmem:s8] =	stream.linear.scatter [tilespmem:s7], [sflag:$0x1], $0x2000, $0x38;
	[tilespmem:$0x12280] =	vst v63  }
0xd: {  	_ =	swait.ge [sflag:s6], $0x2000  }
0xe: {  	[sflag:s6] =	ssyncset.done $0x0  }
0xf: {  	s9 =	sadd.s32 $0x2000, s8;
	[sflag:s6] =	ssyncadd.s32 $0xFFFFE000  }
0x10: {  	[spmem:s9] =	stream.linear.scatter [tilespmem:s7], [sflag:$0x1], $0x2000, $0x38;
	[tilespmem:$0x12280] =	vst v63  }
0x11: {  	_ =	swait.ge [sflag:s6], $0x2000  }
0x12: {  	[sflag:s6] =	ssyncset.done $0x0  }
0x13: {  	s10 =	sadd.s32 $0x4000, s8;
	[sflag:s6] =	ssyncadd.s32 $0xFFFFE000  }
0x14: {  	[spmem:s10] =	stream.linear.scatter [tilespmem:s7], [sflag:$0x1], $0x2000, $0x38;
	[tilespmem:$0x12280] =	vst v63  }
0x15: {  	_ =	swait.ge [sflag:s6], $0x2000  }
0x16: {  	[sflag:s6] =	ssyncset.done $0x0  }
0x17: {  	s11 =	sadd.s32 $0x6000, s8;
	[sflag:s6] =	ssyncadd.s32 $0xFFFFE000  }
0x18: {  	[spmem:s11] =	stream.linear.scatter [tilespmem:s7], [sflag:$0x1], $0x2000, $0x38;
	[tilespmem:$0x12280] =	vst v63  }
0x19: {  	_ =	swait.ge [sflag:s6], $0x2000  }
0x1a: {  	[sflag:s6] =	ssyncset.done $0x0  }
0x1b: {  	s12 =	sadd.s32 $0x8000, s8;
	[sflag:s6] =	ssyncadd.s32 $0xFFFFE000  }
0x1c: {  	[spmem:s12] =	stream.linear.scatter [tilespmem:s7], [sflag:$0x1], $0x2000, $0x38;
	[tilespmem:$0x12280] =	vst v63  }
0x1d: {  	_ =	swait.ge [sflag:s6], $0x2000  }
0x1e: {  	[sflag:s6] =	ssyncset.done $0x0  }
0x1f: {  	s13 =	sadd.s32 $0xA000, s8;
	[sflag:s6] =	ssyncadd.s32 $0xFFFFE000  }
0x20: {  	[spmem:s13] =	stream.linear.scatter [tilespmem:s7], [sflag:$0x1], $0x2000, $0x38;
	[tilespmem:$0x12280] =	vst v63  }
0x21: {  	_ =	swait.ge [sflag:s6], $0x2000  }
0x22: {  	[sflag:s6] =	ssyncset.done $0x0  }
0x23: {  	s14 =	sadd.s32 $0xC000, s8;
	[sflag:s6] =	ssyncadd.s32 $0xFFFFE000  }
0x24: {  	[spmem:s14] =	stream.linear.scatter [tilespmem:s7], [sflag:$0x1], $0x2000, $0x38;
	[tilespmem:$0x12280] =	vst v63  }
0x25: {  	_ =	swait.ge [sflag:s6], $0x2000  }
0x26: {  	[sflag:s6] =	ssyncset.done $0x0  }
0x27: {  	s15 =	sadd.s32 $0xE000, s8;
	[sflag:s6] =	ssyncadd.s32 $0xFFFFE000  }
0x28: {  	[spmem:s15] =	stream.linear.scatter [tilespmem:s7], [sflag:$0x1], $0x2000, $0x38;
	[tilespmem:$0x12280] =	vst v63  }
0x29: {  	_ =	swait.ge [sflag:s6], $0x2000  }
0x2a: {  	s16 =	srdreg.scid;
	[sflag:s6] =	ssyncset.done $0x0  }
0x2b: {  	s26 =	sand.u32 $0x1, s16;
	s16 =	simm.s32 $0x200;
	[sflag:s6] =	ssyncadd.s32 $0xFFFFE000  }
0x2c: {  	[tilespmem:s16], [sflag:$0x1] =	stream.linear.gather [hbm4b:s1+s3], $0x80, $0x38;
	[tilespmem:$0x12280] =	vst v63  }
0x2d: {  	s28 =	sshll.u32 s4, $0x6;
	s18 =	sshll.u32 s26, $0xA;
	_ =	swait.ge [sflag:s6], $0x80  }
0x2e: {  	s18 =	sor.u32 s28, s18;
	[sflag:s6] =	ssyncset.done $0x0  }
0x2f: {  	s17 =	sadd.s32 s17, s18;
	[sflag:s6] =	ssyncadd.s32 $0xFFFFFF80  }
0x30: {  	[tilespmem:s3], [sflag:$0x1] =	stream.linear.gather [hbm4b:s17+s3], $0x80, $0x38;
	[tilespmem:$0x12280] =	vst v63  }
0x31: {  	_ =	swait.ge [sflag:s6], $0x80  }
0x32: {  	[sflag:s6] =	ssyncset.done $0x0  }
0x33: {  	s19 =	simm.s32 $0x80;
	s18 =	sadd.s32 $0x10, s17;
	[sflag:s6] =	ssyncadd.s32 $0xFFFFFF80  }
0x34: {  	[tilespmem:s19], [sflag:$0x1] =	stream.linear.gather [hbm4b:s18+s3], $0x80, $0x38;
	[tilespmem:$0x12280] =	vst v63  }
0x35: {  	_ =	swait.ge [sflag:s6], $0x80  }
0x36: {  	[sflag:s6] =	ssyncset.done $0x0  }
0x37: {  	s21 =	simm.s32 $0x100;
	s20 =	sadd.s32 $0x20, s17;
	[sflag:s6] =	ssyncadd.s32 $0xFFFFFF80  }
0x38: {  	[tilespmem:s21], [sflag:$0x1] =	stream.linear.gather [hbm4b:s20+s3], $0x80, $0x38;
	[tilespmem:$0x12280] =	vst v63  }
0x39: {  	_ =	swait.ge [sflag:s6], $0x80  }
0x3a: {  	[sflag:s6] =	ssyncset.done $0x0  }
0x3b: {  	s23 =	simm.s32 $0x180;
	s22 =	sadd.s32 $0x30, s17;
	[sflag:s6] =	ssyncadd.s32 $0xFFFFFF80  }
0x3c: {  	[tilespmem:s23], [sflag:$0x1] =	stream.linear.gather [hbm4b:s22+s3], $0x80, $0x38;
	[tilespmem:$0x12280] =	vst v63  }
0x3d: {  	_ =	swait.ge [sflag:s6], $0x80  }
0x3e: {  	[sflag:s6] =	ssyncset.done $0x0  }
0x3f: {  	[sflag:s6] =	ssyncadd.s32 $0xFFFFFF80  }
0x40: {  	[bflag:$0x0] =	sbarrier.arrive $0xFFFF  }
0x41: {  	[spmem:s2] =	stream.indirect.scatter.add.f32 [tilespmem:s16], [sflag:$0x1], $0x1, s3, s19, $0xb8;
	[tilespmem:$0x12280] =	vst v63  }
0x42: {  	_ =	swait.ge [sflag:s6], $0x80  }
0x43: {  	[sflag:s6] =	ssyncset.done $0x0  }
0x44: {  	[sflag:s6] =	ssyncadd.s32 $0xFFFFFF80  }
0x45: {  	[spmem:s2] =	stream.indirect.scatter.add.f32 [tilespmem:s16], [sflag:$0x1], $0x1, s19, s19, $0xb8;
	[tilespmem:$0x12280] =	vst v63  }
0x46: {  	_ =	swait.ge [sflag:s6], $0x80  }
0x47: {  	[sflag:s6] =	ssyncset.done $0x0  }
0x48: {  	[sflag:s6] =	ssyncadd.s32 $0xFFFFFF80  }
0x49: {  	[spmem:s2] =	stream.indirect.scatter.add.f32 [tilespmem:s16], [sflag:$0x1], $0x1, s21, s19, $0xb8;
	[tilespmem:$0x12280] =	vst v63  }
0x4a: {  	s29 =	sshll.u32 s26, $0x14;
	s26 =	ssub.s32 $0x2, s26;
	_ =	swait.ge [sflag:s6], $0x80  }
0x4b: {  	s30 =	sshrl.u32 s26, $0x1;
	[sflag:s6] =	ssyncset.done $0x0  }
0x4c: {  	s25 =	sor.u32 s25, s29;
	s31 =	ssub.s32 s26, s30;
	[sflag:s6] =	ssyncadd.s32 $0xFFFFFF80  }
0x4d: {  	[spmem:s2] =	stream.indirect.scatter.add.f32 [tilespmem:s16], [sflag:$0x1], $0x1, s23, s19, $0xb8;
	[tilespmem:$0x12280] =	vst v63  }
0x4e: {  	s25 =	sshrl.u32 s25, $0x3;
	s29 =	smax.u32 s31, $0x1;
	_ =	swait.ge [sflag:s6], $0x80  }
0x4f: {  	s26 =	sshrl.u32 s8, $0x3;
	p0 =	sne.s32 s29, $0x1;
	[sflag:s6] =	ssyncset.done $0x0  }
.Ltmp0:
0x50: {  	s24 =	sadd.s32 s25, s24;
	[sflag:s6] =	ssyncadd.s32 $0xFFFFFF80;
	(pc) =	sbr.rel @!p0 .LBB2_2-.Ltmp0, $4  }
0x51: {  	s25 =	sor.u32 $0x1C01, s28;
	s24 =	sadd.s32 $0xC00, s24;
	[bflag:$0x0] =	sbarrier.arrive $0xFFFF  }
0x52: {  	[hbm:s24], [sflag:s25] =	dma.local [spmem:s26], $0x2000  }
0x53: {  	_ =	swait.ge [sflag:s6], $0x2000  }
0x54: {  	s28 =	sadd.s32 $0xFFFFFFFF, s29;
	[sflag:s6] =	ssyncset.done $0x0  }
.LBB2_1:
0x55: {  	p0 =	sne.s32 s28, $0x1;
	s28 =	sadd.s32 $0xFFFFFFFF, s28;
	[sflag:s6] =	ssyncadd.s32 $0xFFFFE000  }
0x56: {  	[tilespmem:s7], [sflag:$0x1] =	stream.linear.gather [hbm4b:s5+s3], $0x2000, $0x38;
	[tilespmem:$0x12280] =	vst v63  }
0x57: {  	_ =	swait.ge [sflag:s6], $0x2000  }
0x58: {  	[sflag:s6] =	ssyncset.done $0x0  }
0x59: {  	[sflag:s6] =	ssyncadd.s32 $0xFFFFE000  }
0x5a: {  	[spmem:s8] =	stream.linear.scatter [tilespmem:s7], [sflag:$0x1], $0x2000, $0x38;
	[tilespmem:$0x12280] =	vst v63  }
0x5b: {  	_ =	swait.ge [sflag:s6], $0x2000  }
0x5c: {  	[sflag:s6] =	ssyncset.done $0x0  }
0x5d: {  	[sflag:s6] =	ssyncadd.s32 $0xFFFFE000  }
0x5e: {  	[spmem:s9] =	stream.linear.scatter [tilespmem:s7], [sflag:$0x1], $0x2000, $0x38;
	[tilespmem:$0x12280] =	vst v63  }
0x5f: {  	_ =	swait.ge [sflag:s6], $0x2000  }
0x60: {  	[sflag:s6] =	ssyncset.done $0x0  }
0x61: {  	[sflag:s6] =	ssyncadd.s32 $0xFFFFE000  }
0x62: {  	[spmem:s10] =	stream.linear.scatter [tilespmem:s7], [sflag:$0x1], $0x2000, $0x38;
	[tilespmem:$0x12280] =	vst v63  }
0x63: {  	_ =	swait.ge [sflag:s6], $0x2000  }
0x64: {  	[sflag:s6] =	ssyncset.done $0x0  }
0x65: {  	[sflag:s6] =	ssyncadd.s32 $0xFFFFE000  }
0x66: {  	[spmem:s11] =	stream.linear.scatter [tilespmem:s7], [sflag:$0x1], $0x2000, $0x38;
	[tilespmem:$0x12280] =	vst v63  }
0x67: {  	_ =	swait.ge [sflag:s6], $0x2000  }
0x68: {  	[sflag:s6] =	ssyncset.done $0x0  }
0x69: {  	[sflag:s6] =	ssyncadd.s32 $0xFFFFE000  }
0x6a: {  	[spmem:s12] =	stream.linear.scatter [tilespmem:s7], [sflag:$0x1], $0x2000, $0x38;
	[tilespmem:$0x12280] =	vst v63  }
0x6b: {  	_ =	swait.ge [sflag:s6], $0x2000  }
0x6c: {  	[sflag:s6] =	ssyncset.done $0x0  }
0x6d: {  	[sflag:s6] =	ssyncadd.s32 $0xFFFFE000  }
0x6e: {  	[spmem:s13] =	stream.linear.scatter [tilespmem:s7], [sflag:$0x1], $0x2000, $0x38;
	[tilespmem:$0x12280] =	vst v63  }
0x6f: {  	_ =	swait.ge [sflag:s6], $0x2000  }
0x70: {  	[sflag:s6] =	ssyncset.done $0x0  }
0x71: {  	[sflag:s6] =	ssyncadd.s32 $0xFFFFE000  }
0x72: {  	[spmem:s14] =	stream.linear.scatter [tilespmem:s7], [sflag:$0x1], $0x2000, $0x38;
	[tilespmem:$0x12280] =	vst v63  }
0x73: {  	_ =	swait.ge [sflag:s6], $0x2000  }
0x74: {  	[sflag:s6] =	ssyncset.done $0x0  }
0x75: {  	[sflag:s6] =	ssyncadd.s32 $0xFFFFE000  }
0x76: {  	[spmem:s15] =	stream.linear.scatter [tilespmem:s7], [sflag:$0x1], $0x2000, $0x38;
	[tilespmem:$0x12280] =	vst v63  }
0x77: {  	_ =	swait.ge [sflag:s6], $0x2000  }
0x78: {  	[sflag:s6] =	ssyncset.done $0x0  }
0x79: {  	[sflag:s6] =	ssyncadd.s32 $0xFFFFE000  }
0x7a: {  	[tilespmem:s16], [sflag:$0x1] =	stream.linear.gather [hbm4b:s1+s3], $0x80, $0x38;
	[tilespmem:$0x12280] =	vst v63  }
0x7b: {  	_ =	swait.ge [sflag:s6], $0x80  }
0x7c: {  	[sflag:s6] =	ssyncset.done $0x0  }
0x7d: {  	[sflag:s6] =	ssyncadd.s32 $0xFFFFFF80  }
0x7e: {  	[tilespmem:s3], [sflag:$0x1] =	stream.linear.gather [hbm4b:s17+s3], $0x80, $0x38;
	[tilespmem:$0x12280] =	vst v63  }
0x7f: {  	_ =	swait.ge [sflag:s6], $0x80  }
0x80: {  	[sflag:s6] =	ssyncset.done $0x0  }
0x81: {  	[sflag:s6] =	ssyncadd.s32 $0xFFFFFF80  }
0x82: {  	[tilespmem:s19], [sflag:$0x1] =	stream.linear.gather [hbm4b:s18+s3], $0x80, $0x38;
	[tilespmem:$0x12280] =	vst v63  }
0x83: {  	_ =	swait.ge [sflag:s6], $0x80  }
0x84: {  	[sflag:s6] =	ssyncset.done $0x0  }
0x85: {  	[sflag:s6] =	ssyncadd.s32 $0xFFFFFF80  }
0x86: {  	[tilespmem:s21], [sflag:$0x1] =	stream.linear.gather [hbm4b:s20+s3], $0x80, $0x38;
	[tilespmem:$0x12280] =	vst v63  }
0x87: {  	_ =	swait.ge [sflag:s6], $0x80  }
0x88: {  	[sflag:s6] =	ssyncset.done $0x0  }
0x89: {  	[sflag:s6] =	ssyncadd.s32 $0xFFFFFF80  }
0x8a: {  	[tilespmem:s23], [sflag:$0x1] =	stream.linear.gather [hbm4b:s22+s3], $0x80, $0x38;
	[tilespmem:$0x12280] =	vst v63  }
0x8b: {  	_ =	swait.ge [sflag:s6], $0x80  }
0x8c: {  	[sflag:s6] =	ssyncset.done $0x0  }
0x8d: {  	[sflag:s6] =	ssyncadd.s32 $0xFFFFFF80  }
0x8e: {  	[bflag:$0x0] =	sbarrier.arrive $0xFFFF  }
0x8f: {  	[spmem:s2] =	stream.indirect.scatter.add.f32 [tilespmem:s16], [sflag:$0x1], $0x1, s3, s19, $0xb8;
	[tilespmem:$0x12280] =	vst v63  }
0x90: {  	_ =	swait.ge [sflag:s6], $0x80  }
0x91: {  	[sflag:s6] =	ssyncset.done $0x0  }
0x92: {  	[sflag:s6] =	ssyncadd.s32 $0xFFFFFF80  }
0x93: {  	[spmem:s2] =	stream.indirect.scatter.add.f32 [tilespmem:s16], [sflag:$0x1], $0x1, s19, s19, $0xb8;
	[tilespmem:$0x12280] =	vst v63  }
0x94: {  	_ =	swait.ge [sflag:s6], $0x80  }
0x95: {  	[sflag:s6] =	ssyncset.done $0x0  }
0x96: {  	[sflag:s6] =	ssyncadd.s32 $0xFFFFFF80  }
0x97: {  	[spmem:s2] =	stream.indirect.scatter.add.f32 [tilespmem:s16], [sflag:$0x1], $0x1, s21, s19, $0xb8;
	[tilespmem:$0x12280] =	vst v63  }
0x98: {  	_ =	swait.ge [sflag:s6], $0x80  }
0x99: {  	[sflag:s6] =	ssyncset.done $0x0  }
0x9a: {  	[sflag:s6] =	ssyncadd.s32 $0xFFFFFF80  }
0x9b: {  	[spmem:s2] =	stream.indirect.scatter.add.f32 [tilespmem:s16], [sflag:$0x1], $0x1, s23, s19, $0xb8;
	[tilespmem:$0x12280] =	vst v63  }
0x9c: {  	_ =	swait.ge [sflag:s6], $0x80  }
0x9d: {  	[sflag:s6] =	ssyncset.done $0x0  }
.Ltmp1:
0x9e: {  	[sflag:s6] =	ssyncadd.s32 $0xFFFFFF80;
	(pc) =	sbr.rel @p0 .LBB2_1-.Ltmp1, $4  }
0x9f: {  	[bflag:$0x0] =	sbarrier.arrive $0xFFFF  }
0xa0: {  	[hbm:s24], [sflag:s25] =	dma.local [spmem:s26], $0x2000  }
0xa1: {  	_ =	swait.ge [sflag:s6], $0x2000  }
0xa2: {  	[sflag:s6] =	ssyncset.done $0x0  }
.LBB2_2:
0xa3: {  	[sflag:s6] =	ssyncadd.s32 $0xFFFFE000  }
0xa4: {  	_ =	sfence.sel $0x180000  }
0xa5: {  	[bflag:$0x0] =	sbarrier.arrive $0xFFFF  }
0xa6: {  	p0 =	sne.s32 s4, $0x0;
	_ =	strace $0x90000047  }
0xa7: {  	s0 =	sadd.s32 @!p0 $0x100000, s0;
	[bflag:$0x2] =	sbarrier.arrive $0xFFFF  }
0xa8: {  	[sflag:s0] =	ssyncadd.tile.s32 @!p0 $0x1;
	_ =	shalt  }
.Lfunc_end2:
_tile_overlayer_lowered:
.L_overlay_start_2:
0xa9: {  	(tag) =	ssettag $0x2  }
0xaa: {  	s0 =	rddreg [dreg:$0x0];
	s2 =	stileid.u32  }
0xab: {  	s1 =	rddreg [dreg:$0x1];
	p0 =	sne.s32 s2, $0x0  }
0xac: {  	s3 =	rddreg [dreg:$0x2];
	[bflag:$0x3] =	sbarrier.arrive $0xFFFF;
	s2 =	simm.s32 @!p0 $0x1C01  }
0xad: {  	[timem:s3], [sflag:s2] =	dma.local @!p0 [hbm:s0], s1  }
0xae: {  	s0 =	simm.s32 @!p0 $0x1  }
0xaf: {  	_ =	swait.ge @!p0 [sflag:s0], s1  }
0xb0: {  	s1 =	ssub.s32 @!p0 $0x0, s1;
	[sflag:s0] =	ssyncset.done @!p0 $0x0  }
0xb1: {  	[sflag:s0] =	ssyncadd.s32 @!p0 s1  }
0xb2: {  	[bflag:$0x3] =	sbarrier.arrive $0xFFFF  }
0xb3: {  	_ =	shalt  }

</sc_bundles>
